<compile_context>
chip_gen: v7x
topology: tpu7x:2x2x1
jax: 0.10.2.dev20260603
libtpu: 0.0.44.dev20260713+nightly
codegen_flags: <defaults>
</compile_context>

<pallas_src>
import functools

import numpy as np
import jax
import jax.numpy as jnp
from jax import lax
from jax.experimental import pallas as pl
from jax.experimental.pallas import tpu as pltpu
from jax.experimental.pallas import tpu_sc as plsc

_EPS = np.float32(1e-06)
_N = 8192
_B = 1024
_H = 4
_BB = 64
_NC, _NS = 2, 16
_NW = _NC * _NS
_ROWS_PER_W = _B // _NW
_BUF_ROWS = 8


def _scores_row() -> np.ndarray:
    u = np.full(_N, np.float32(0.0) * (np.float32(1.0) - _EPS) + _EPS,
                dtype=np.float32)
    u_prod = np.cumprod(u, dtype=np.float32)
    one_minus = (np.float32(1.0) - u).astype(np.float32)
    return np.concatenate([one_minus[:1], one_minus[1:] * u_prod[:-1]]
                          ).astype(np.float32)


def _sc_scores(row):
    mesh = plsc.VectorSubcoreMesh(core_axis_name="c", subcore_axis_name="s")

    @functools.partial(
        pl.kernel, mesh=mesh,
        out_type=jax.ShapeDtypeStruct((_B, _N), jnp.float32),
        scratch_types=[
            pltpu.VMEM((_BUF_ROWS, _N), jnp.float32),
            pltpu.SemaphoreType.DMA,
            pltpu.SemaphoreType.DMA,
        ],
    )
    def k(row_hbm, out_hbm, buf, rsem, wsem):
        wid = lax.axis_index("s") * _NC + lax.axis_index("c")
        base = wid * _ROWS_PER_W
        reads = [pltpu.async_copy(row_hbm, buf.at[i], rsem)
                 for i in range(_BUF_ROWS)]
        for c in reads:
            c.wait()
        writes = [
            pltpu.async_copy(
                buf, out_hbm.at[pl.ds(base + j * _BUF_ROWS, _BUF_ROWS)],
                wsem)
            for j in range(_ROWS_PER_W // _BUF_ROWS)
        ]
        for c in writes:
            c.wait()

    return k(row)


def _phi_body(fg_ref, rd_ref, phi_ref):
    acc = None
    for h in range(_H):
        g = fg_ref[:, h:h + 1]
        t = 1.0 - g * rd_ref[:, h, :]
        acc = t if acc is None else acc * t
    phi_ref[...] = acc


def _tc_phi(free_gates, prev_read_distributions):
    return pl.pallas_call(
        _phi_body,
        grid=(_B // _BB,),
        in_specs=[
            pl.BlockSpec((_BB, _H), lambda i: (i, 0)),
            pl.BlockSpec((_BB, _H, _N), lambda i: (i, 0, 0)),
        ],
        out_specs=pl.BlockSpec((_BB, _N), lambda i: (i, 0)),
        out_shape=jax.ShapeDtypeStruct((_B, _N), jnp.float32),
        compiler_params=pltpu.CompilerParams(
            dimension_semantics=("parallel",),
        ),
    )(free_gates, prev_read_distributions)


def kernel(prev_write_distribution, prev_read_distributions, free_gates):
    del prev_write_distribution
    row = jnp.asarray(_scores_row())
    scores = _sc_scores(row)
    phi = _tc_phi(free_gates, prev_read_distributions)
    return (scores, phi)

# --- scband reference (transcript-rebuilt; emitter-appended) ---
"""Pipeline reference for scband-allocation-manager-420906795790 (READ-ONLY COPY).

The authoritative reference and input builder live on the scoring server;
editing this copy changes nothing except your own understanding.
"""

import jax, jax.numpy as jnp
import numpy as np

_EPS = 1e-06

def setup_inputs(seed: int = 0) -> dict:
    key = jax.random.key(seed)
    k1, k2, k3 = jax.random.split(key, 3)
    prev_write_distribution = jax.random.uniform(k1, (1024, 8192), dtype=jnp.float32)
    prev_read_distributions = jax.random.uniform(k2, (1024, 4, 8192), dtype=jnp.float32)
    free_gates = jax.random.uniform(k3, (1024, 4), dtype=jnp.float32)
    return {
        "prev_write_distribution": prev_write_distribution,
        "prev_read_distributions": prev_read_distributions,
        "free_gates": free_gates,
    }

def reference(prev_write_distribution, prev_read_distributions, free_gates):
    # update_usages: phi = prod_over_read_heads(1 - free_gate * read_dist)
    # torch.addcmul(one, free_gates.unsqueeze(-1), prev_read_distributions, value=-1).prod(-2)
    phi = jnp.prod(1.0 - free_gates[..., None] * prev_read_distributions, axis=-2)
    # First call on a fresh module: self.usages is None -> initialized to zeros
    # (zero_usages of shape [batch, n_cells]); the else-branch update is skipped.
    B = prev_read_distributions.shape[0]
    N = prev_read_distributions.shape[-1]
    usages = jnp.zeros((B, N), dtype=prev_read_distributions.dtype)
    # forward: allocation weighting
    u = usages * (1.0 - _EPS) + _EPS
    sort_order = jnp.argsort(u, axis=-1)  # free_list
    sorted_usage = jnp.take_along_axis(u, sort_order, axis=-1)
    u_prod = jnp.cumprod(sorted_usage, axis=-1)
    one_minus_usage = 1.0 - sorted_usage
    sorted_scores = jnp.concatenate(
        [one_minus_usage[..., 0:1], one_minus_usage[..., 1:] * u_prod[..., :-1]],
        axis=-1,
    )
    # sorted_scores.clone().scatter_(-1, free_list, sorted_scores):
    # scatter sorted scores back to original cell positions (free_list is a
    # full permutation, so every slot is overwritten).
    batch_idx = jnp.arange(B)[:, None]
    scores = sorted_scores.at[batch_idx, sort_order].set(sorted_scores)
    return (scores, phi)

if __name__ == "__main__":
    import jax
    _d = setup_inputs()
    print(jax.jit(kernel)(*tuple(_d.values())))

</pallas_src>

<mosaic_0001>
#map = affine_map<(d0, d1) -> (0)>
#map1 = affine_map<(d0, d1) -> (0, 0)>
module attributes {stable_mosaic.version = 14 : i64} {
  func.func @k(%arg0: i32, %arg1: i32, %arg2: memref<8192xf32, #tpu.memory_space<hbm>>, %arg3: memref<1024x8192xf32, #tpu.memory_space<hbm>>, %arg4: memref<8x8192xf32, #tpu.memory_space<vmem>>, %arg5: memref<!tpu.dma_semaphore, #tpu.memory_space<semaphore_mem>>, %arg6: memref<!tpu.dma_semaphore, #tpu.memory_space<semaphore_mem>>) attributes {dimension_semantics = [#tpu.dimension_semantics<core_parallel>, #tpu.dimension_semantics<subcore_parallel>], iteration_bounds = array<i64: 2, 16>, scalar_prefetch = 0 : i64, scratch_operands = 3 : i64, tpu.core_type = #tpu.core_type<sc_vector_subcore>, window_params = [{transform_indices = #map}, {transform_indices = #map1}]} {
    %mul3A = arith.constant 2 : i32
    %mul3A_0 = arith.muli %arg1, %mul3A : i32
    %add3A = arith.addi %mul3A_0, %arg0 : i32
    %mul3A_1 = arith.constant 32 : i32
    %mul3A_2 = arith.muli %add3A, %mul3A_1 : i32
    %dma_start3A = arith.constant 0 : i32
    %dma_start3A_3 = arith.constant 0 : i32
    %dma_start3A_4 = tpu.memref_slice %arg4[%dma_start3A, %dma_start3A_3] : memref<8x8192xf32, #tpu.memory_space<vmem>> -> memref<1x8192xf32, #tpu.memory_space<vmem>>
    %dma_start3A_5 = tpu.memref_squeeze %dma_start3A_4 : memref<1x8192xf32, #tpu.memory_space<vmem>> -> memref<8192xf32, #tpu.memory_space<vmem>>
    %dma_start3A_6 = arith.constant 0 : i32
    %dma_start3A_7 = tpu.memref_slice %arg4[%dma_start3A, %dma_start3A_6] : memref<8x8192xf32, #tpu.memory_space<vmem>> -> memref<1x8192xf32, #tpu.memory_space<vmem>>
    %dma_start3A_8 = tpu.memref_squeeze %dma_start3A_7 : memref<1x8192xf32, #tpu.memory_space<vmem>> -> memref<8192xf32, #tpu.memory_space<vmem>>
    tpu.enqueue_dma source(%arg2 : memref<8192xf32, #tpu.memory_space<hbm>>) target(%dma_start3A_8 : memref<8192xf32, #tpu.memory_space<vmem>>) target_semaphore(%arg5 : memref<!tpu.dma_semaphore, #tpu.memory_space<semaphore_mem>>)
    %dma_start3A_9 = arith.constant 1 : i32
    %dma_start3A_10 = arith.constant 0 : i32
    %dma_start3A_11 = tpu.memref_slice %arg4[%dma_start3A_9, %dma_start3A_10] : memref<8x8192xf32, #tpu.memory_space<vmem>> -> memref<1x8192xf32, #tpu.memory_space<vmem>>
    %dma_start3A_12 = tpu.memref_squeeze %dma_start3A_11 : memref<1x8192xf32, #tpu.memory_space<vmem>> -> memref<8192xf32, #tpu.memory_space<vmem>>
    %dma_start3A_13 = arith.constant 0 : i32
    %dma_start3A_14 = tpu.memref_slice %arg4[%dma_start3A_9, %dma_start3A_13] : memref<8x8192xf32, #tpu.memory_space<vmem>> -> memref<1x8192xf32, #tpu.memory_space<vmem>>
    %dma_start3A_15 = tpu.memref_squeeze %dma_start3A_14 : memref<1x8192xf32, #tpu.memory_space<vmem>> -> memref<8192xf32, #tpu.memory_space<vmem>>
    tpu.enqueue_dma source(%arg2 : memref<8192xf32, #tpu.memory_space<hbm>>) target(%dma_start3A_15 : memref<8192xf32, #tpu.memory_space<vmem>>) target_semaphore(%arg5 : memref<!tpu.dma_semaphore, #tpu.memory_space<semaphore_mem>>)
    %dma_start3A_16 = arith.constant 2 : i32
    %dma_start3A_17 = arith.constant 0 : i32
    %dma_start3A_18 = tpu.memref_slice %arg4[%dma_start3A_16, %dma_start3A_17] : memref<8x8192xf32, #tpu.memory_space<vmem>> -> memref<1x8192xf32, #tpu.memory_space<vmem>>
    %dma_start3A_19 = tpu.memref_squeeze %dma_start3A_18 : memref<1x8192xf32, #tpu.memory_space<vmem>> -> memref<8192xf32, #tpu.memory_space<vmem>>
    %dma_start3A_20 = arith.constant 0 : i32
    %dma_start3A_21 = tpu.memref_slice %arg4[%dma_start3A_16, %dma_start3A_20] : memref<8x8192xf32, #tpu.memory_space<vmem>> -> memref<1x8192xf32, #tpu.memory_space<vmem>>
    %dma_start3A_22 = tpu.memref_squeeze %dma_start3A_21 : memref<1x8192xf32, #tpu.memory_space<vmem>> -> memref<8192xf32, #tpu.memory_space<vmem>>
    tpu.enqueue_dma source(%arg2 : memref<8192xf32, #tpu.memory_space<hbm>>) target(%dma_start3A_22 : memref<8192xf32, #tpu.memory_space<vmem>>) target_semaphore(%arg5 : memref<!tpu.dma_semaphore, #tpu.memory_space<semaphore_mem>>)
    %dma_start3A_23 = arith.constant 3 : i32
    %dma_start3A_24 = arith.constant 0 : i32
    %dma_start3A_25 = tpu.memref_slice %arg4[%dma_start3A_23, %dma_start3A_24] : memref<8x8192xf32, #tpu.memory_space<vmem>> -> memref<1x8192xf32, #tpu.memory_space<vmem>>
    %dma_start3A_26 = tpu.memref_squeeze %dma_start3A_25 : memref<1x8192xf32, #tpu.memory_space<vmem>> -> memref<8192xf32, #tpu.memory_space<vmem>>
    %dma_start3A_27 = arith.constant 0 : i32
    %dma_start3A_28 = tpu.memref_slice %arg4[%dma_start3A_23, %dma_start3A_27] : memref<8x8192xf32, #tpu.memory_space<vmem>> -> memref<1x8192xf32, #tpu.memory_space<vmem>>
    %dma_start3A_29 = tpu.memref_squeeze %dma_start3A_28 : memref<1x8192xf32, #tpu.memory_space<vmem>> -> memref<8192xf32, #tpu.memory_space<vmem>>
    tpu.enqueue_dma source(%arg2 : memref<8192xf32, #tpu.memory_space<hbm>>) target(%dma_start3A_29 : memref<8192xf32, #tpu.memory_space<vmem>>) target_semaphore(%arg5 : memref<!tpu.dma_semaphore, #tpu.memory_space<semaphore_mem>>)
    %dma_start3A_30 = arith.constant 4 : i32
    %dma_start3A_31 = arith.constant 0 : i32
    %dma_start3A_32 = tpu.memref_slice %arg4[%dma_start3A_30, %dma_start3A_31] : memref<8x8192xf32, #tpu.memory_space<vmem>> -> memref<1x8192xf32, #tpu.memory_space<vmem>>
    %dma_start3A_33 = tpu.memref_squeeze %dma_start3A_32 : memref<1x8192xf32, #tpu.memory_space<vmem>> -> memref<8192xf32, #tpu.memory_space<vmem>>
    %dma_start3A_34 = arith.constant 0 : i32
    %dma_start3A_35 = tpu.memref_slice %arg4[%dma_start3A_30, %dma_start3A_34] : memref<8x8192xf32, #tpu.memory_space<vmem>> -> memref<1x8192xf32, #tpu.memory_space<vmem>>
    %dma_start3A_36 = tpu.memref_squeeze %dma_start3A_35 : memref<1x8192xf32, #tpu.memory_space<vmem>> -> memref<8192xf32, #tpu.memory_space<vmem>>
    tpu.enqueue_dma source(%arg2 : memref<8192xf32, #tpu.memory_space<hbm>>) target(%dma_start3A_36 : memref<8192xf32, #tpu.memory_space<vmem>>) target_semaphore(%arg5 : memref<!tpu.dma_semaphore, #tpu.memory_space<semaphore_mem>>)
    %dma_start3A_37 = arith.constant 5 : i32
    %dma_start3A_38 = arith.constant 0 : i32
    %dma_start3A_39 = tpu.memref_slice %arg4[%dma_start3A_37, %dma_start3A_38] : memref<8x8192xf32, #tpu.memory_space<vmem>> -> memref<1x8192xf32, #tpu.memory_space<vmem>>
    %dma_start3A_40 = tpu.memref_squeeze %dma_start3A_39 : memref<1x8192xf32, #tpu.memory_space<vmem>> -> memref<8192xf32, #tpu.memory_space<vmem>>
    %dma_start3A_41 = arith.constant 0 : i32
    %dma_start3A_42 = tpu.memref_slice %arg4[%dma_start3A_37, %dma_start3A_41] : memref<8x8192xf32, #tpu.memory_space<vmem>> -> memref<1x8192xf32, #tpu.memory_space<vmem>>
    %dma_start3A_43 = tpu.memref_squeeze %dma_start3A_42 : memref<1x8192xf32, #tpu.memory_space<vmem>> -> memref<8192xf32, #tpu.memory_space<vmem>>
    tpu.enqueue_dma source(%arg2 : memref<8192xf32, #tpu.memory_space<hbm>>) target(%dma_start3A_43 : memref<8192xf32, #tpu.memory_space<vmem>>) target_semaphore(%arg5 : memref<!tpu.dma_semaphore, #tpu.memory_space<semaphore_mem>>)
    %dma_start3A_44 = arith.constant 6 : i32
    %dma_start3A_45 = arith.constant 0 : i32
    %dma_start3A_46 = tpu.memref_slice %arg4[%dma_start3A_44, %dma_start3A_45] : memref<8x8192xf32, #tpu.memory_space<vmem>> -> memref<1x8192xf32, #tpu.memory_space<vmem>>
    %dma_start3A_47 = tpu.memref_squeeze %dma_start3A_46 : memref<1x8192xf32, #tpu.memory_space<vmem>> -> memref<8192xf32, #tpu.memory_space<vmem>>
    %dma_start3A_48 = arith.constant 0 : i32
    %dma_start3A_49 = tpu.memref_slice %arg4[%dma_start3A_44, %dma_start3A_48] : memref<8x8192xf32, #tpu.memory_space<vmem>> -> memref<1x8192xf32, #tpu.memory_space<vmem>>
    %dma_start3A_50 = tpu.memref_squeeze %dma_start3A_49 : memref<1x8192xf32, #tpu.memory_space<vmem>> -> memref<8192xf32, #tpu.memory_space<vmem>>
    tpu.enqueue_dma source(%arg2 : memref<8192xf32, #tpu.memory_space<hbm>>) target(%dma_start3A_50 : memref<8192xf32, #tpu.memory_space<vmem>>) target_semaphore(%arg5 : memref<!tpu.dma_semaphore, #tpu.memory_space<semaphore_mem>>)
    %dma_start3A_51 = arith.constant 7 : i32
    %dma_start3A_52 = arith.constant 0 : i32
    %dma_start3A_53 = tpu.memref_slice %arg4[%dma_start3A_51, %dma_start3A_52] : memref<8x8192xf32, #tpu.memory_space<vmem>> -> memref<1x8192xf32, #tpu.memory_space<vmem>>
    %dma_start3A_54 = tpu.memref_squeeze %dma_start3A_53 : memref<1x8192xf32, #tpu.memory_space<vmem>> -> memref<8192xf32, #tpu.memory_space<vmem>>
    %dma_start3A_55 = arith.constant 0 : i32
    %dma_start3A_56 = tpu.memref_slice %arg4[%dma_start3A_51, %dma_start3A_55] : memref<8x8192xf32, #tpu.memory_space<vmem>> -> memref<1x8192xf32, #tpu.memory_space<vmem>>
    %dma_start3A_57 = tpu.memref_squeeze %dma_start3A_56 : memref<1x8192xf32, #tpu.memory_space<vmem>> -> memref<8192xf32, #tpu.memory_space<vmem>>
    tpu.enqueue_dma source(%arg2 : memref<8192xf32, #tpu.memory_space<hbm>>) target(%dma_start3A_57 : memref<8192xf32, #tpu.memory_space<vmem>>) target_semaphore(%arg5 : memref<!tpu.dma_semaphore, #tpu.memory_space<semaphore_mem>>)
    %dma_wait3A = arith.constant 0 : i32
    %dma_wait3A_58 = arith.constant 0 : i32
    %dma_wait3A_59 = tpu.memref_slice %arg4[%dma_wait3A, %dma_wait3A_58] : memref<8x8192xf32, #tpu.memory_space<vmem>> -> memref<1x8192xf32, #tpu.memory_space<vmem>>
    %dma_wait3A_60 = tpu.memref_squeeze %dma_wait3A_59 : memref<1x8192xf32, #tpu.memory_space<vmem>> -> memref<8192xf32, #tpu.memory_space<vmem>>
    %dma_wait3A_61 = arith.constant 0 : i32
    %dma_wait3A_62 = tpu.memref_slice %arg4[%dma_wait3A, %dma_wait3A_61] : memref<8x8192xf32, #tpu.memory_space<vmem>> -> memref<1x8192xf32, #tpu.memory_space<vmem>>
    %dma_wait3A_63 = tpu.memref_squeeze %dma_wait3A_62 : memref<1x8192xf32, #tpu.memory_space<vmem>> -> memref<8192xf32, #tpu.memory_space<vmem>>
    tpu.wait_dma2 semaphore(%arg5 : memref<!tpu.dma_semaphore, #tpu.memory_space<semaphore_mem>>) src(%arg2 : memref<8192xf32, #tpu.memory_space<hbm>>) dst(%dma_wait3A_63 : memref<8192xf32, #tpu.memory_space<vmem>>)
    %dma_wait3A_64 = arith.constant 1 : i32
    %dma_wait3A_65 = arith.constant 0 : i32
    %dma_wait3A_66 = tpu.memref_slice %arg4[%dma_wait3A_64, %dma_wait3A_65] : memref<8x8192xf32, #tpu.memory_space<vmem>> -> memref<1x8192xf32, #tpu.memory_space<vmem>>
    %dma_wait3A_67 = tpu.memref_squeeze %dma_wait3A_66 : memref<1x8192xf32, #tpu.memory_space<vmem>> -> memref<8192xf32, #tpu.memory_space<vmem>>
    %dma_wait3A_68 = arith.constant 0 : i32
    %dma_wait3A_69 = tpu.memref_slice %arg4[%dma_wait3A_64, %dma_wait3A_68] : memref<8x8192xf32, #tpu.memory_space<vmem>> -> memref<1x8192xf32, #tpu.memory_space<vmem>>
    %dma_wait3A_70 = tpu.memref_squeeze %dma_wait3A_69 : memref<1x8192xf32, #tpu.memory_space<vmem>> -> memref<8192xf32, #tpu.memory_space<vmem>>
    tpu.wait_dma2 semaphore(%arg5 : memref<!tpu.dma_semaphore, #tpu.memory_space<semaphore_mem>>) src(%arg2 : memref<8192xf32, #tpu.memory_space<hbm>>) dst(%dma_wait3A_70 : memref<8192xf32, #tpu.memory_space<vmem>>)
    %dma_wait3A_71 = arith.constant 2 : i32
    %dma_wait3A_72 = arith.constant 0 : i32
    %dma_wait3A_73 = tpu.memref_slice %arg4[%dma_wait3A_71, %dma_wait3A_72] : memref<8x8192xf32, #tpu.memory_space<vmem>> -> memref<1x8192xf32, #tpu.memory_space<vmem>>
    %dma_wait3A_74 = tpu.memref_squeeze %dma_wait3A_73 : memref<1x8192xf32, #tpu.memory_space<vmem>> -> memref<8192xf32, #tpu.memory_space<vmem>>
    %dma_wait3A_75 = arith.constant 0 : i32
    %dma_wait3A_76 = tpu.memref_slice %arg4[%dma_wait3A_71, %dma_wait3A_75] : memref<8x8192xf32, #tpu.memory_space<vmem>> -> memref<1x8192xf32, #tpu.memory_space<vmem>>
    %dma_wait3A_77 = tpu.memref_squeeze %dma_wait3A_76 : memref<1x8192xf32, #tpu.memory_space<vmem>> -> memref<8192xf32, #tpu.memory_space<vmem>>
    tpu.wait_dma2 semaphore(%arg5 : memref<!tpu.dma_semaphore, #tpu.memory_space<semaphore_mem>>) src(%arg2 : memref<8192xf32, #tpu.memory_space<hbm>>) dst(%dma_wait3A_77 : memref<8192xf32, #tpu.memory_space<vmem>>)
    %dma_wait3A_78 = arith.constant 3 : i32
    %dma_wait3A_79 = arith.constant 0 : i32
    %dma_wait3A_80 = tpu.memref_slice %arg4[%dma_wait3A_78, %dma_wait3A_79] : memref<8x8192xf32, #tpu.memory_space<vmem>> -> memref<1x8192xf32, #tpu.memory_space<vmem>>
    %dma_wait3A_81 = tpu.memref_squeeze %dma_wait3A_80 : memref<1x8192xf32, #tpu.memory_space<vmem>> -> memref<8192xf32, #tpu.memory_space<vmem>>
    %dma_wait3A_82 = arith.constant 0 : i32
    %dma_wait3A_83 = tpu.memref_slice %arg4[%dma_wait3A_78, %dma_wait3A_82] : memref<8x8192xf32, #tpu.memory_space<vmem>> -> memref<1x8192xf32, #tpu.memory_space<vmem>>
    %dma_wait3A_84 = tpu.memref_squeeze %dma_wait3A_83 : memref<1x8192xf32, #tpu.memory_space<vmem>> -> memref<8192xf32, #tpu.memory_space<vmem>>
    tpu.wait_dma2 semaphore(%arg5 : memref<!tpu.dma_semaphore, #tpu.memory_space<semaphore_mem>>) src(%arg2 : memref<8192xf32, #tpu.memory_space<hbm>>) dst(%dma_wait3A_84 : memref<8192xf32, #tpu.memory_space<vmem>>)
    %dma_wait3A_85 = arith.constant 4 : i32
    %dma_wait3A_86 = arith.constant 0 : i32
    %dma_wait3A_87 = tpu.memref_slice %arg4[%dma_wait3A_85, %dma_wait3A_86] : memref<8x8192xf32, #tpu.memory_space<vmem>> -> memref<1x8192xf32, #tpu.memory_space<vmem>>
    %dma_wait3A_88 = tpu.memref_squeeze %dma_wait3A_87 : memref<1x8192xf32, #tpu.memory_space<vmem>> -> memref<8192xf32, #tpu.memory_space<vmem>>
    %dma_wait3A_89 = arith.constant 0 : i32
    %dma_wait3A_90 = tpu.memref_slice %arg4[%dma_wait3A_85, %dma_wait3A_89] : memref<8x8192xf32, #tpu.memory_space<vmem>> -> memref<1x8192xf32, #tpu.memory_space<vmem>>
    %dma_wait3A_91 = tpu.memref_squeeze %dma_wait3A_90 : memref<1x8192xf32, #tpu.memory_space<vmem>> -> memref<8192xf32, #tpu.memory_space<vmem>>
    tpu.wait_dma2 semaphore(%arg5 : memref<!tpu.dma_semaphore, #tpu.memory_space<semaphore_mem>>) src(%arg2 : memref<8192xf32, #tpu.memory_space<hbm>>) dst(%dma_wait3A_91 : memref<8192xf32, #tpu.memory_space<vmem>>)
    %dma_wait3A_92 = arith.constant 5 : i32
    %dma_wait3A_93 = arith.constant 0 : i32
    %dma_wait3A_94 = tpu.memref_slice %arg4[%dma_wait3A_92, %dma_wait3A_93] : memref<8x8192xf32, #tpu.memory_space<vmem>> -> memref<1x8192xf32, #tpu.memory_space<vmem>>
    %dma_wait3A_95 = tpu.memref_squeeze %dma_wait3A_94 : memref<1x8192xf32, #tpu.memory_space<vmem>> -> memref<8192xf32, #tpu.memory_space<vmem>>
    %dma_wait3A_96 = arith.constant 0 : i32
    %dma_wait3A_97 = tpu.memref_slice %arg4[%dma_wait3A_92, %dma_wait3A_96] : memref<8x8192xf32, #tpu.memory_space<vmem>> -> memref<1x8192xf32, #tpu.memory_space<vmem>>
    %dma_wait3A_98 = tpu.memref_squeeze %dma_wait3A_97 : memref<1x8192xf32, #tpu.memory_space<vmem>> -> memref<8192xf32, #tpu.memory_space<vmem>>
    tpu.wait_dma2 semaphore(%arg5 : memref<!tpu.dma_semaphore, #tpu.memory_space<semaphore_mem>>) src(%arg2 : memref<8192xf32, #tpu.memory_space<hbm>>) dst(%dma_wait3A_98 : memref<8192xf32, #tpu.memory_space<vmem>>)
    %dma_wait3A_99 = arith.constant 6 : i32
    %dma_wait3A_100 = arith.constant 0 : i32
    %dma_wait3A_101 = tpu.memref_slice %arg4[%dma_wait3A_99, %dma_wait3A_100] : memref<8x8192xf32, #tpu.memory_space<vmem>> -> memref<1x8192xf32, #tpu.memory_space<vmem>>
    %dma_wait3A_102 = tpu.memref_squeeze %dma_wait3A_101 : memref<1x8192xf32, #tpu.memory_space<vmem>> -> memref<8192xf32, #tpu.memory_space<vmem>>
    %dma_wait3A_103 = arith.constant 0 : i32
    %dma_wait3A_104 = tpu.memref_slice %arg4[%dma_wait3A_99, %dma_wait3A_103] : memref<8x8192xf32, #tpu.memory_space<vmem>> -> memref<1x8192xf32, #tpu.memory_space<vmem>>
    %dma_wait3A_105 = tpu.memref_squeeze %dma_wait3A_104 : memref<1x8192xf32, #tpu.memory_space<vmem>> -> memref<8192xf32, #tpu.memory_space<vmem>>
    tpu.wait_dma2 semaphore(%arg5 : memref<!tpu.dma_semaphore, #tpu.memory_space<semaphore_mem>>) src(%arg2 : memref<8192xf32, #tpu.memory_space<hbm>>) dst(%dma_wait3A_105 : memref<8192xf32, #tpu.memory_space<vmem>>)
    %dma_wait3A_106 = arith.constant 7 : i32
    %dma_wait3A_107 = arith.constant 0 : i32
    %dma_wait3A_108 = tpu.memref_slice %arg4[%dma_wait3A_106, %dma_wait3A_107] : memref<8x8192xf32, #tpu.memory_space<vmem>> -> memref<1x8192xf32, #tpu.memory_space<vmem>>
    %dma_wait3A_109 = tpu.memref_squeeze %dma_wait3A_108 : memref<1x8192xf32, #tpu.memory_space<vmem>> -> memref<8192xf32, #tpu.memory_space<vmem>>
    %dma_wait3A_110 = arith.constant 0 : i32
    %dma_wait3A_111 = tpu.memref_slice %arg4[%dma_wait3A_106, %dma_wait3A_110] : memref<8x8192xf32, #tpu.memory_space<vmem>> -> memref<1x8192xf32, #tpu.memory_space<vmem>>
    %dma_wait3A_112 = tpu.memref_squeeze %dma_wait3A_111 : memref<1x8192xf32, #tpu.memory_space<vmem>> -> memref<8192xf32, #tpu.memory_space<vmem>>
    tpu.wait_dma2 semaphore(%arg5 : memref<!tpu.dma_semaphore, #tpu.memory_space<semaphore_mem>>) src(%arg2 : memref<8192xf32, #tpu.memory_space<hbm>>) dst(%dma_wait3A_112 : memref<8192xf32, #tpu.memory_space<vmem>>)
    %add3A_113 = arith.constant 0 : i32
    %add3A_114 = arith.addi %mul3A_2, %add3A_113 : i32
    %dma_start3A_115 = arith.constant 0 : i32
    %dma_start3A_116 = tpu.memref_slice %arg3[%add3A_114, %dma_start3A_115] : memref<1024x8192xf32, #tpu.memory_space<hbm>> -> memref<8x8192xf32, #tpu.memory_space<hbm>>
    %dma_start3A_117 = arith.constant 0 : i32
    %dma_start3A_118 = tpu.memref_slice %arg3[%add3A_114, %dma_start3A_117] : memref<1024x8192xf32, #tpu.memory_space<hbm>> -> memref<8x8192xf32, #tpu.memory_space<hbm>>
    tpu.enqueue_dma source(%arg4 : memref<8x8192xf32, #tpu.memory_space<vmem>>) target(%dma_start3A_118 : memref<8x8192xf32, #tpu.memory_space<hbm>>) target_semaphore(%arg6 : memref<!tpu.dma_semaphore, #tpu.memory_space<semaphore_mem>>)
    %add3A_119 = arith.constant 8 : i32
    %add3A_120 = arith.addi %mul3A_2, %add3A_119 : i32
    %dma_start3A_121 = arith.constant 0 : i32
    %dma_start3A_122 = tpu.memref_slice %arg3[%add3A_120, %dma_start3A_121] : memref<1024x8192xf32, #tpu.memory_space<hbm>> -> memref<8x8192xf32, #tpu.memory_space<hbm>>
    %dma_start3A_123 = arith.constant 0 : i32
    %dma_start3A_124 = tpu.memref_slice %arg3[%add3A_120, %dma_start3A_123] : memref<1024x8192xf32, #tpu.memory_space<hbm>> -> memref<8x8192xf32, #tpu.memory_space<hbm>>
    tpu.enqueue_dma source(%arg4 : memref<8x8192xf32, #tpu.memory_space<vmem>>) target(%dma_start3A_124 : memref<8x8192xf32, #tpu.memory_space<hbm>>) target_semaphore(%arg6 : memref<!tpu.dma_semaphore, #tpu.memory_space<semaphore_mem>>)
    %add3A_125 = arith.constant 16 : i32
    %add3A_126 = arith.addi %mul3A_2, %add3A_125 : i32
    %dma_start3A_127 = arith.constant 0 : i32
    %dma_start3A_128 = tpu.memref_slice %arg3[%add3A_126, %dma_start3A_127] : memref<1024x8192xf32, #tpu.memory_space<hbm>> -> memref<8x8192xf32, #tpu.memory_space<hbm>>
    %dma_start3A_129 = arith.constant 0 : i32
    %dma_start3A_130 = tpu.memref_slice %arg3[%add3A_126, %dma_start3A_129] : memref<1024x8192xf32, #tpu.memory_space<hbm>> -> memref<8x8192xf32, #tpu.memory_space<hbm>>
    tpu.enqueue_dma source(%arg4 : memref<8x8192xf32, #tpu.memory_space<vmem>>) target(%dma_start3A_130 : memref<8x8192xf32, #tpu.memory_space<hbm>>) target_semaphore(%arg6 : memref<!tpu.dma_semaphore, #tpu.memory_space<semaphore_mem>>)
    %add3A_131 = arith.constant 24 : i32
    %add3A_132 = arith.addi %mul3A_2, %add3A_131 : i32
    %dma_start3A_133 = arith.constant 0 : i32
    %dma_start3A_134 = tpu.memref_slice %arg3[%add3A_132, %dma_start3A_133] : memref<1024x8192xf32, #tpu.memory_space<hbm>> -> memref<8x8192xf32, #tpu.memory_space<hbm>>
    %dma_start3A_135 = arith.constant 0 : i32
    %dma_start3A_136 = tpu.memref_slice %arg3[%add3A_132, %dma_start3A_135] : memref<1024x8192xf32, #tpu.memory_space<hbm>> -> memref<8x8192xf32, #tpu.memory_space<hbm>>
    tpu.enqueue_dma source(%arg4 : memref<8x8192xf32, #tpu.memory_space<vmem>>) target(%dma_start3A_136 : memref<8x8192xf32, #tpu.memory_space<hbm>>) target_semaphore(%arg6 : memref<!tpu.dma_semaphore, #tpu.memory_space<semaphore_mem>>)
    %dma_wait3A_137 = arith.constant 0 : i32
    %dma_wait3A_138 = tpu.memref_slice %arg3[%add3A_114, %dma_wait3A_137] : memref<1024x8192xf32, #tpu.memory_space<hbm>> -> memref<8x8192xf32, #tpu.memory_space<hbm>>
    %dma_wait3A_139 = arith.constant 0 : i32
    %dma_wait3A_140 = tpu.memref_slice %arg3[%add3A_114, %dma_wait3A_139] : memref<1024x8192xf32, #tpu.memory_space<hbm>> -> memref<8x8192xf32, #tpu.memory_space<hbm>>
    tpu.wait_dma2 semaphore(%arg6 : memref<!tpu.dma_semaphore, #tpu.memory_space<semaphore_mem>>) src(%arg4 : memref<8x8192xf32, #tpu.memory_space<vmem>>) dst(%dma_wait3A_140 : memref<8x8192xf32, #tpu.memory_space<hbm>>)
    %dma_wait3A_141 = arith.constant 0 : i32
    %dma_wait3A_142 = tpu.memref_slice %arg3[%add3A_120, %dma_wait3A_141] : memref<1024x8192xf32, #tpu.memory_space<hbm>> -> memref<8x8192xf32, #tpu.memory_space<hbm>>
    %dma_wait3A_143 = arith.constant 0 : i32
    %dma_wait3A_144 = tpu.memref_slice %arg3[%add3A_120, %dma_wait3A_143] : memref<1024x8192xf32, #tpu.memory_space<hbm>> -> memref<8x8192xf32, #tpu.memory_space<hbm>>
    tpu.wait_dma2 semaphore(%arg6 : memref<!tpu.dma_semaphore, #tpu.memory_space<semaphore_mem>>) src(%arg4 : memref<8x8192xf32, #tpu.memory_space<vmem>>) dst(%dma_wait3A_144 : memref<8x8192xf32, #tpu.memory_space<hbm>>)
    %dma_wait3A_145 = arith.constant 0 : i32
    %dma_wait3A_146 = tpu.memref_slice %arg3[%add3A_126, %dma_wait3A_145] : memref<1024x8192xf32, #tpu.memory_space<hbm>> -> memref<8x8192xf32, #tpu.memory_space<hbm>>
    %dma_wait3A_147 = arith.constant 0 : i32
    %dma_wait3A_148 = tpu.memref_slice %arg3[%add3A_126, %dma_wait3A_147] : memref<1024x8192xf32, #tpu.memory_space<hbm>> -> memref<8x8192xf32, #tpu.memory_space<hbm>>
    tpu.wait_dma2 semaphore(%arg6 : memref<!tpu.dma_semaphore, #tpu.memory_space<semaphore_mem>>) src(%arg4 : memref<8x8192xf32, #tpu.memory_space<vmem>>) dst(%dma_wait3A_148 : memref<8x8192xf32, #tpu.memory_space<hbm>>)
    %dma_wait3A_149 = arith.constant 0 : i32
    %dma_wait3A_150 = tpu.memref_slice %arg3[%add3A_132, %dma_wait3A_149] : memref<1024x8192xf32, #tpu.memory_space<hbm>> -> memref<8x8192xf32, #tpu.memory_space<hbm>>
    %dma_wait3A_151 = arith.constant 0 : i32
    %dma_wait3A_152 = tpu.memref_slice %arg3[%add3A_132, %dma_wait3A_151] : memref<1024x8192xf32, #tpu.memory_space<hbm>> -> memref<8x8192xf32, #tpu.memory_space<hbm>>
    tpu.wait_dma2 semaphore(%arg6 : memref<!tpu.dma_semaphore, #tpu.memory_space<semaphore_mem>>) src(%arg4 : memref<8x8192xf32, #tpu.memory_space<vmem>>) dst(%dma_wait3A_152 : memref<8x8192xf32, #tpu.memory_space<hbm>>)
    return
  }
}

module attributes {stable_mosaic.version = 14 : i64} {
  func.func @_phi_body(%arg0: i32, %arg1: memref<64x4xf32, #tpu.memory_space<vmem>>, %arg2: memref<64x4x8192xf32, #tpu.memory_space<vmem>>, %arg3: memref<64x8192xf32, #tpu.memory_space<vmem>>) attributes {dimension_semantics = [#tpu.dimension_semantics<parallel>], iteration_bounds = array<i64: 16>, scalar_prefetch = 0 : i64, scratch_operands = 0 : i64, tpu.core_type = #tpu.core_type<tc>, window_params = [{transform_indices = @transform_0, window_bounds = array<i64: 64, 4>}, {transform_indices = @transform_1, window_bounds = array<i64: 64, 4, 8192>}, {transform_indices = @transform_2, window_bounds = array<i64: 64, 8192>}]} {
    %get3A = arith.constant 0 : index
    %get3A_0 = arith.constant 0 : index
    %get3A_1 = vector.load %arg1[%get3A, %get3A_0] : memref<64x4xf32, #tpu.memory_space<vmem>>, vector<64x1xf32>
    %get3A_2 = arith.constant 0 : index
    %get3A_3 = arith.constant 0 : index
    %get3A_4 = arith.constant 0 : index
    %get3A_5 = vector.load %arg2[%get3A_2, %get3A_3, %get3A_4] : memref<64x4x8192xf32, #tpu.memory_space<vmem>>, vector<64x1x8192xf32>
    %get3A_6 = vector.shape_cast %get3A_5 : vector<64x1x8192xf32> to vector<64x8192xf32>
    %mul3A = vector.broadcast %get3A_1 : vector<64x1xf32> to vector<64x8192xf32>
    %mul3A_7 = arith.mulf %mul3A, %get3A_6 : vector<64x8192xf32>
    %sub3A = arith.constant 1.000000e+00 : f32
    %sub3A_8 = vector.broadcast %sub3A : f32 to vector<64x8192xf32>
    %sub3A_9 = arith.subf %sub3A_8, %mul3A_7 : vector<64x8192xf32>
    %get3A_10 = arith.constant 0 : index
    %get3A_11 = arith.constant 1 : index
    %get3A_12 = vector.load %arg1[%get3A_10, %get3A_11] : memref<64x4xf32, #tpu.memory_space<vmem>>, vector<64x1xf32>
    %get3A_13 = arith.constant 0 : index
    %get3A_14 = arith.constant 1 : index
    %get3A_15 = arith.constant 0 : index
    %get3A_16 = vector.load %arg2[%get3A_13, %get3A_14, %get3A_15] : memref<64x4x8192xf32, #tpu.memory_space<vmem>>, vector<64x1x8192xf32>
    %get3A_17 = vector.shape_cast %get3A_16 : vector<64x1x8192xf32> to vector<64x8192xf32>
    %mul3A_18 = vector.broadcast %get3A_12 : vector<64x1xf32> to vector<64x8192xf32>
    %mul3A_19 = arith.mulf %mul3A_18, %get3A_17 : vector<64x8192xf32>
    %sub3A_20 = arith.constant 1.000000e+00 : f32
    %sub3A_21 = vector.broadcast %sub3A_20 : f32 to vector<64x8192xf32>
    %sub3A_22 = arith.subf %sub3A_21, %mul3A_19 : vector<64x8192xf32>
    %mul3A_23 = arith.mulf %sub3A_9, %sub3A_22 : vector<64x8192xf32>
    %get3A_24 = arith.constant 0 : index
    %get3A_25 = arith.constant 2 : index
    %get3A_26 = vector.load %arg1[%get3A_24, %get3A_25] : memref<64x4xf32, #tpu.memory_space<vmem>>, vector<64x1xf32>
    %get3A_27 = arith.constant 0 : index
    %get3A_28 = arith.constant 2 : index
    %get3A_29 = arith.constant 0 : index
    %get3A_30 = vector.load %arg2[%get3A_27, %get3A_28, %get3A_29] : memref<64x4x8192xf32, #tpu.memory_space<vmem>>, vector<64x1x8192xf32>
    %get3A_31 = vector.shape_cast %get3A_30 : vector<64x1x8192xf32> to vector<64x8192xf32>
    %mul3A_32 = vector.broadcast %get3A_26 : vector<64x1xf32> to vector<64x8192xf32>
    %mul3A_33 = arith.mulf %mul3A_32, %get3A_31 : vector<64x8192xf32>
    %sub3A_34 = arith.constant 1.000000e+00 : f32
    %sub3A_35 = vector.broadcast %sub3A_34 : f32 to vector<64x8192xf32>
    %sub3A_36 = arith.subf %sub3A_35, %mul3A_33 : vector<64x8192xf32>
    %mul3A_37 = arith.mulf %mul3A_23, %sub3A_36 : vector<64x8192xf32>
    %get3A_38 = arith.constant 0 : index
    %get3A_39 = arith.constant 3 : index
    %get3A_40 = vector.load %arg1[%get3A_38, %get3A_39] : memref<64x4xf32, #tpu.memory_space<vmem>>, vector<64x1xf32>
    %get3A_41 = arith.constant 0 : index
    %get3A_42 = arith.constant 3 : index
    %get3A_43 = arith.constant 0 : index
    %get3A_44 = vector.load %arg2[%get3A_41, %get3A_42, %get3A_43] : memref<64x4x8192xf32, #tpu.memory_space<vmem>>, vector<64x1x8192xf32>
    %get3A_45 = vector.shape_cast %get3A_44 : vector<64x1x8192xf32> to vector<64x8192xf32>
    %mul3A_46 = vector.broadcast %get3A_40 : vector<64x1xf32> to vector<64x8192xf32>
    %mul3A_47 = arith.mulf %mul3A_46, %get3A_45 : vector<64x8192xf32>
    %sub3A_48 = arith.constant 1.000000e+00 : f32
    %sub3A_49 = vector.broadcast %sub3A_48 : f32 to vector<64x8192xf32>
    %sub3A_50 = arith.subf %sub3A_49, %mul3A_47 : vector<64x8192xf32>
    %mul3A_51 = arith.mulf %mul3A_37, %sub3A_50 : vector<64x8192xf32>
    %swap3A = arith.constant 0 : index
    %swap3A_52 = arith.constant 0 : index
    %swap3A_53 = vector.load %arg3[%swap3A, %swap3A_52] : memref<64x8192xf32, #tpu.memory_space<vmem>>, vector<64x8192xf32>
    tpu.vector_store %arg3[%swap3A, %swap3A_52], %mul3A_51 {strides = array<i32>} : memref<64x8192xf32, #tpu.memory_space<vmem>>, vector<64x8192xf32>,
    return
  }
  func.func @transform_0(%arg0: i32) -> (i32, i32) {
    %c0_i32 = arith.constant 0 : i32
    %c0_i32_0 = arith.constant 0 : i32
    return %arg0, %c0_i32 : i32, i32
  }
  func.func @transform_1(%arg0: i32) -> (i32, i32, i32) {
    %c0_i32 = arith.constant 0 : i32
    %c0_i32_0 = arith.constant 0 : i32
    %c0_i32_1 = arith.constant 0 : i32
    return %arg0, %c0_i32, %c0_i32_0 : i32, i32, i32
  }
  func.func @transform_2(%arg0: i32) -> (i32, i32) {
    %c0_i32 = arith.constant 0 : i32
    %c0_i32_0 = arith.constant 0 : i32
    return %arg0, %c0_i32 : i32, i32
  }
}

</mosaic_0001>

<sc_bundles>
// kernel: kernel.4.cloned.1.call-start
scs
__scs_entry_jumppad:
0x0: {  	(pc) =	sbr.rel $0x88, $3  }
0x1: {  	(tag) =	ssettag $0x0;
	lr =	simm.s32 $0x1  }
0x2: {  	[smem:$0x3F9F] =	sst lr;
	_ =	strace $0xD0000000  }
0x3: {  	_ = 	snop  }
0x4: {  	_ = 	snop  }
0x5: {  	_ = 	snop  }
0x6: {  	_ = 	snop  }
0x7: {  	_ = 	snop  }
__scs_overlays_trampoline_lowered:
0x8: {  	[smem:$0x3FAE] =	sst s0  }
0x9: {  	[smem:$0x3FAF] =	sst s1  }
0xa: {  	[smem:$0x3FB0] =	sst s2  }
0xb: {  	[smem:$0x3FB1] =	sst s3  }
0xc: {  	[smem:$0x3FB2] =	sst s4  }
0xd: {  	[smem:$0x3FB3] =	sst s5  }
0xe: {  	[smem:$0x3FB4] =	sst s6  }
0xf: {  	[smem:$0x3FB5] =	sst s7  }
0x10: {  	[smem:$0x3FB6] =	sst s8  }
0x11: {  	[smem:$0x3FB7] =	sst s9;
	s0 =	simm.s32 @!p0 $0x0  }
0x12: {  	s1 =	sld [smem:$0x3F9D];
	s0 =	simm.s32 @p0 $0x1  }
0x13: {  	[smem:$0x3FB8] =	sst s0;
	s0 =	simm.s32 @!p1 $0x0  }
0x14: {  	s2 =	sld [smem:$0x3F9C];
	s0 =	simm.s32 @p1 $0x1  }
0x15: {  	[smem:$0x3FB9] =	sst s0;
	s0 =	simm.s32 @!p2 $0x0  }
0x16: {  	s3 =	sld [smem:$0x3FDB];
	s0 =	simm.s32 @p2 $0x1  }
0x17: {  	s4 =	simm.s32 $0x1BF5;
	[smem:$0x3FBB] =	sst s0  }
0x18: {  	s0 =	sld [smem:$0x3F9E];
	_ =	swait.ge [sflag:s4], $0x0  }
0x19: {  	s7 =	sld [smem:$0x3F9F]  }
0x1a: {  	s8 =	sadd.s32 $0xFFFFE003, lr  }
0x1b: {  	s9 =	sadd.s32 $0xFFFFFEF7, lr;
	s5 =	simm.s32 $0xFFFFFFFF;
	p2 =	slt.u32 s8, $0xFFFFF086  }
0x1c: {  	p1 =	slt.u32 s9, $0xF7A;
	s5 =	simm.s32 @!p2 $0x0  }
0x1d: {  	s5 =	simm.s32 @p1 $0x1;
	p0 =	seq.s32 s7, s2  }
0x1e: {  	s7 =	smul.u32 @!p0 $0xF7A, s2;
	p2 =	seq.s32 @!p0 s5, $0x0  }
0x1f: {  	s9 =	smul.u32 $0xF7A, s1;
	s8 =	simm.s32 @!p0 $0x1BF5;
	p2 =	por !p2, p0  }
0x20: {  	[sflag:s8] =	ssyncset.s32 @!p0 $0xFFFFF086;
	s6 =	sadd.s32 @!p0 s3, s7;
	s7 =	simm.s32 @!p0 $0x108  }
0x21: {  	s3 =	sadd.s32 s3, s9;
	s6 =	sadd.s32 @!p0 $0x88, s6;
	s7 =	simm.s32 @p2 $0x1082  }
0x22: {  	[simem:s7], [sflag:s8] =	dma.local @!p0 [hbm:s6], $0xF7A  }
0x23: {  	s9 =	sor.u32 $0xD0000000, s2;
	s6 =	simm.s32 $0x108;
	_ =	swait.ge @!p0 [sflag:s8], $0x0  }
0x24: {  	s3 =	sadd.s32 $0x88, s3;
	s6 =	simm.s32 @!p1 $0x1082;
	[sflag:s4] =	ssyncset.s32 $0xFFFFF086  }
0x25: {  	[simem:s6], [sflag:s4] =	dma.local [hbm:s3], $0xF7A  }
0x26: {  	[smem:$0x3F9F] =	sst s1;
	(tag) =	ssettag s2;
	_ =	strace s9  }
0x27: {  	s1 =	sld [smem:$0x3FAF]  }
0x28: {  	s2 =	sld [smem:$0x3FB0]  }
0x29: {  	s4 =	sld [smem:$0x3FB2]  }
0x2a: {  	p0 =	seq.s32 s5, $0x0;
	s5 =	sld [smem:$0x3FB3]  }
0x2b: {  	s6 =	sld [smem:$0x3FB4]  }
0x2c: {  	s7 =	sld [smem:$0x3FB5]  }
0x2d: {  	s3 =	simm.s32 $0x108;
	s8 =	sld [smem:$0x3FB6]  }
0x2e: {  	s3 =	simm.s32 @!p0 $0x1082;
	s9 =	sld [smem:$0x3FB7]  }
0x2f: {  	lr =	sadd.s32 s0, s3;
	s0 =	sld [smem:$0x3FAE]  }
0x30: {  	s3 =	sld [smem:$0x3FB1]  }
0x31: {  	[smem:$0x3FBA] =	sst s10  }
0x32: {  	s10 =	sld [smem:$0x3FB8];
	_ =	sdelay $0x3  }
0x33: {  	p0 =	seq.s32 s10, $0x1;
	s10 =	sld [smem:$0x3FBA];
	_ =	sdelay $0x3  }
0x34: {  	[smem:$0x3FBA] =	sst s10  }
0x35: {  	s10 =	sld [smem:$0x3FB9];
	_ =	sdelay $0x3  }
0x36: {  	p1 =	seq.s32 s10, $0x1;
	s10 =	sld [smem:$0x3FBA];
	_ =	sdelay $0x3  }
0x37: {  	[smem:$0x3FBA] =	sst s10  }
0x38: {  	s10 =	sld [smem:$0x3FBB]  }
0x39: {  	_ = 	snop;
	(pc) =	sbr.ind lr, $3  }
0x3a: {  	_ = 	snop  }
0x3b: {  	_ = 	snop  }
0x3c: {  	p2 =	seq.s32 s10, $0x1;
	s10 =	sld [smem:$0x3FBA]  }
0x3d: {  	_ =	shalt  }
0x3e: {  	_ =	shalt  }
0x3f: {  	_ =	shalt  }
0x40: {  	_ =	shalt  }
0x41: {  	_ =	shalt  }
0x42: {  	_ =	shalt  }
0x43: {  	_ =	shalt  }
0x44: {  	_ =	shalt  }
0x45: {  	_ =	shalt  }
0x46: {  	_ =	shalt  }
0x47: {  	_ =	shalt  }
0x48: {  	_ =	shalt  }
0x49: {  	_ =	shalt  }
0x4a: {  	_ =	shalt  }
0x4b: {  	_ =	shalt  }
0x4c: {  	_ =	shalt  }
0x4d: {  	_ =	shalt  }
0x4e: {  	_ =	shalt  }
0x4f: {  	_ =	shalt  }
0x50: {  	_ =	shalt  }
0x51: {  	_ =	shalt  }
0x52: {  	_ =	shalt  }
0x53: {  	_ =	shalt  }
0x54: {  	_ =	shalt  }
0x55: {  	_ =	shalt  }
0x56: {  	_ =	shalt  }
0x57: {  	_ =	shalt  }
0x58: {  	_ =	shalt  }
0x59: {  	_ =	shalt  }
0x5a: {  	_ =	shalt  }
0x5b: {  	_ =	shalt  }
0x5c: {  	_ =	shalt  }
0x5d: {  	_ =	shalt  }
0x5e: {  	_ =	shalt  }
0x5f: {  	_ =	shalt  }
0x60: {  	_ =	shalt  }
0x61: {  	_ =	shalt  }
0x62: {  	_ =	shalt  }
0x63: {  	_ =	shalt  }
0x64: {  	_ =	shalt  }
0x65: {  	_ =	shalt  }
0x66: {  	_ =	shalt  }
0x67: {  	_ =	shalt  }
0x68: {  	_ =	shalt  }
0x69: {  	_ =	shalt  }
0x6a: {  	_ =	shalt  }
0x6b: {  	_ =	shalt  }
0x6c: {  	_ =	shalt  }
0x6d: {  	_ =	shalt  }
0x6e: {  	_ =	shalt  }
0x6f: {  	_ =	shalt  }
0x70: {  	_ =	shalt  }
0x71: {  	_ =	shalt  }
0x72: {  	_ =	shalt  }
0x73: {  	_ =	shalt  }
0x74: {  	_ =	shalt  }
0x75: {  	_ =	shalt  }
0x76: {  	_ =	shalt  }
0x77: {  	_ =	shalt  }
0x78: {  	_ =	shalt  }
0x79: {  	_ =	shalt  }
0x7a: {  	_ =	shalt  }
0x7b: {  	_ =	shalt  }
0x7c: {  	_ =	shalt  }
0x7d: {  	_ =	shalt  }
0x7e: {  	_ =	shalt  }
0x7f: {  	_ =	shalt  }
0x80: {  	_ =	shalt  }
0x81: {  	_ =	shalt  }
0x82: {  	_ =	shalt  }
0x83: {  	_ =	shalt  }
0x84: {  	_ =	shalt  }
0x85: {  	_ =	shalt  }
0x86: {  	_ =	shalt  }
0x87: {  	_ =	shalt  }
.Lfunc_end0:
.L_simem_size_0:
called_computation_lowered:
.L_overlay_start_0:
0x88: {  	s2 =	sld [smem:$0x3FD9]  }
0x89: {  	s3 =	sld [smem:$0x3FFE];
	_ =	sdelay $0x1  }
0x8a: {  	s1 =	srdreg.scid  }
0x8b: {  	s0 =	sand.u32 $0x1, s1  }
0x8c: {  	s14 =	sshll.u32 s0, $0xA;
	s2 =	sadd.s32 s3, s2  }
0x8d: {  	s2 =	sadd.s32 s2, s14  }
0x8e: {  	[smem:$0x3FC6] =	sst s2  }
0x8f: {  	_ = 	snop  }
0x90: {  	s2 =	sld [smem:$0x3FD0];
	_ =	sdelay $0x2  }
0x91: {  	s15 =	simm.s32 $0xA;
	s4 =	simm.s32 $0x10  }
0x92: {  	[smem:s4], [sflag:s15] =	dma.local [hbm:s2], $0x1  }
0x93: {  	_ =	swait.eq [sflag:s15], $0x1  }
0x94: {  	[sflag:s15] =	ssyncset.done $0x0  }
0x95: {  	[sflag:s15] =	ssyncadd.s32 $0xFFFFFFFF  }
0x96: {  	s16 =	sld [smem:$0x10];
	(tm) =	ssettm $0x1  }
0x97: {  	s17 =	sld [smem:$0x3FFB];
	_ =	sdelay $0x3  }
0x98: {  	_ =	strace s17  }
0x99: {  	s3 =	sld [smem:$0x3FFC];
	_ =	sdelay $0x3  }
0x9a: {  	_ =	strace s3  }
0x9b: {  	s3 =	sld [smem:$0x3FFD];
	_ =	sdelay $0x3  }
0x9c: {  	_ =	strace s3  }
0x9d: {  	_ =	strace $0x8FFFFFFF  }
0x9e: {  	s18 =	sld [smem:$0x3FDB];
	_ =	sdelay $0x1  }
0x9f: {  	s19 =	simm.s32 $_scs_section_size  }
0xa0: {  	s5 =	simm.s32 $_size__tile_overlayer_lowered;
	s6 =	simm.s32 $_tile_overlayer_lowered  }
0xa1: {  	s22 =	simm.s32 $0x1BFF;
	s21 =	sshll.u32 s6, $0x1;
	s3 =	sadd.s32 s19, s18  }
0xa2: {  	s7 =	simm.s32 $0x0;
	s20 =	sshll.u32 s5, $0x1;
	s5 =	sadd.s32 s21, s3  }
0xa3: {  	[timem:s7], [sflag:s22] =	dma.local [hbm:s5], s20  }
0xa4: {  	_ =	swait.ge [sflag:s22], s20  }
0xa5: {  	s4 =	ssub.s32 $0x0, s20;
	[sflag:s22] =	ssyncset.done $0x0  }
0xa6: {  	[sflag:s22] =	ssyncadd.s32 s4;
	_ =	sdelay $0x1  }
0xa7: {  	s23 =	simm.s32 $0x1B8B  }
0xa8: {  	_ =	swait.ge [sflag:s23], $0x1  }
0xa9: {  	[sflag:s23] =	ssyncset.done $0x0  }
0xaa: {  	s25 =	simm.s32 $0x1B8E;
	s24 =	sld [smem:$0x3FFE];
	[sflag:s23] =	ssyncadd.s32 $0xFFFFFFFF  }
0xab: {  	s26 =	simm.s32 $execute0_lowered;
	[smem:$0x3FD2] =	sst s25  }
0xac: {  	s5 =	sshll.u32 s26, $0x1;
	_ =	strace $0x80000046;
	[dreg:$0x1] =	wrdreg $0xFFFFFFFF  }
0xad: {  	s28 =	simm.s32 $_size_execute0_lowered;
	s3 =	sadd.s32 s3, s5;
	[dreg:$0x0] =	wrdreg $0x0  }
0xae: {  	s5 =	sshll.u32 s28, $0x1;
	[dreg:$0x2] =	wrdreg s3  }
0xaf: {  	[dreg:$0x3] =	wrdreg s5  }
0xb0: {  	[dreg:$0x4] =	wrdreg $0xC0  }
0xb1: {  	_ =	task [dreg:s7], $0x5FFFF  }
0xb2: {  	[dreg:$0x1] =	wrdreg $0xFFFFFFFF  }
0xb3: {  	[dreg:$0x0] =	wrdreg $0x60  }
0xb4: {  	[dreg:$0x2] =	wrdreg s24  }
0xb5: {  	[dreg:$0x3] =	wrdreg s16  }
0xb6: {  	[dreg:$0x4] =	wrdreg $0x9  }
0xb7: {  	_ =	task.clear_ibuf [dreg:s7], $0x5FFFF;
	_ =	strace $0x90000046  }
0xb8: {  	s29 =	simm.s32 $0x9;
	_ =	strace $0x80000048  }
0xb9: {  	_ =	swait.ge [sflag:s29], $0x1  }
0xba: {  	[sflag:s29] =	ssyncadd.s32 $0xFFFFFFFF  }
0xbb: {  	_ =	strace $0x90000048  }
0xbc: {  	_ =	sfence  }
0xbd: {  	s30 =	sld [smem:$0x0];
	_ =	sdelay $0x2  }
0xbe: {  	s31 =	sshll.u32 s1, $0xD;
	s1 =	sshrl.u32 s1, $0x2  }
0xbf: {  	s3 =	sand.u32 $0x4000, s31;
	s1 =	sadd.s32 s1, s30  }
0xc0: {  	s0 =	sor.u32 s3, s0;
	s1 =	sshll.u32 s1, $0x11  }
0xc1: {  	s0 =	sor.u32 s1, s0  }
0xc2: {  	s0 =	sadd.s32 $0x8F2B, s0  }
0xc3: {  	[sflag:s0] =	ssyncadd.remote.s32 $0x1  }
0xc4: {  	_ =	sfence.sel $0xFFFF  }
0xc5: {  	[dreg:$0x0] =	wrdreg $0xFFFFFFFF;
	(pc) =	sbr.abs _section_cstart, $3  }
0xc6: {  	[dreg:$0x1] =	wrdreg $0xFFFFFFFF  }
0xc7: {  	_ =	task.clear_ibuf [dreg:s7], $0x2FFFF;
	_ =	strace $0x9FFFFFFF  }
0xc8: {  	(tm) =	ssettm $0x7FFFFFFF  }
0xc9: {  	_ =	shalt  }
tec
execute0_lowered:
.L_overlay_start_1:
0x0: {  	(tag) =	ssettag $0x1  }
0x1: {  	s4 =	rddreg [dreg:$0x0]  }
0x2: {  	s3 =	rddreg [dreg:$0x1];
	s2 =	srdreg.scid  }
0x3: {  	s0 =	rddreg [dreg:$0x2];
	s1 =	stileid.u32;
	s9 =	simm.s32 $0x1  }
0x4: {  	s10 =	simm.s32 $0x2;
	s11 =	simm.s32 $0x0;
	s5 =	sand.u32 $0x1, s2  }
0x5: {  	s2 =	simm.s32 $0x0;
	s6 =	sshll.u32 s1, $0x10;
	s7 =	sshll.u32 s5, $0xF  }
0x6: {  	s4 =	sadd.s32 $0x600, s4;
	s5 =	ssub.s32 $0x2, s5;
	s6 =	sor.u32 s7, s6  }
0x7: {  	[smem:$0x7FF] =	sst s2;
	s31 =	sshrl.u32 s5, $0x1;
	s3 =	sadd.s32 s3, s6  }
0x8: {  	_ =	strace $0x80000047;
	s8 =	ssub.s32 s5, s31;
	s5 =	sadd.s32 $0x2000, s3  }
0x9: {  	s6 =	sadd.s32 $0x4000, s3;
	s7 =	sadd.s32 $0x6000, s3;
	s8 =	smax.u32 s8, $0x1  }
.LBB2_1:
0xa: {  	s13 =	simm.s32 $0x0;
	s14 =	simm.s32 $0x0  }
.LBB2_2:
0xb: {  	p0 =	sne.s32 s14, $0x3F0  }
.Ltmp0:
0xc: {  	_ = 	snop;
	(pc) =	sbr.rel @p0 .LBB2_2-.Ltmp0, $4  }
0xd: {  	_ = 	snop  }
0xe: {  	s15 =	sadd.s32 s14, s4;
	s12 =	simm.s32 $0x0  }
0xf: {  	[tilespmem:s13], [sflag:$0x1] =	stream.linear.gather [hbm4b:s15+s12], $0x80, $0x38;
	[tilespmem:$0x10000] =	vst v63  }
0x10: {  	s14 =	sadd.s32 $0x10, s14;
	s13 =	sadd.s32 $0x400, s13  }
0x11: {  	s13 =	simm.s32 $0x80;
	s14 =	simm.s32 $0x0  }
.LBB2_4:
0x12: {  	p0 =	sne.s32 s14, $0x3F0  }
.Ltmp1:
0x13: {  	_ = 	snop;
	(pc) =	sbr.rel @p0 .LBB2_4-.Ltmp1, $4  }
0x14: {  	_ = 	snop  }
0x15: {  	s15 =	sadd.s32 s14, s4  }
0x16: {  	[tilespmem:s13], [sflag:$0x1] =	stream.linear.gather [hbm4b:s15+s12], $0x80, $0x38;
	[tilespmem:$0x10000] =	vst v63  }
0x17: {  	s14 =	sadd.s32 $0x10, s14;
	s13 =	sadd.s32 $0x400, s13  }
0x18: {  	s14 =	simm.s32 $0x100  }
.LBB2_6:
0x19: {  	p0 =	sne.s32 s12, $0x3F0  }
.Ltmp2:
0x1a: {  	_ = 	snop;
	(pc) =	sbr.rel @p0 .LBB2_6-.Ltmp2, $4  }
0x1b: {  	_ = 	snop  }
0x1c: {  	s15 =	sadd.s32 s12, s4;
	s13 =	simm.s32 $0x0  }
0x1d: {  	[tilespmem:s14], [sflag:$0x1] =	stream.linear.gather [hbm4b:s15+s13], $0x80, $0x38;
	[tilespmem:$0x10000] =	vst v63  }
0x1e: {  	s12 =	sadd.s32 $0x10, s12;
	s14 =	sadd.s32 $0x400, s14  }
0x1f: {  	s12 =	simm.s32 $0x180;
	s14 =	simm.s32 $0x0  }
.LBB2_8:
0x20: {  	p0 =	sne.s32 s14, $0x3F0  }
.Ltmp3:
0x21: {  	_ = 	snop;
	(pc) =	sbr.rel @p0 .LBB2_8-.Ltmp3, $4  }
0x22: {  	_ = 	snop  }
0x23: {  	s15 =	sadd.s32 s14, s4  }
0x24: {  	[tilespmem:s12], [sflag:$0x1] =	stream.linear.gather [hbm4b:s15+s13], $0x80, $0x38;
	[tilespmem:$0x10000] =	vst v63  }
0x25: {  	s14 =	sadd.s32 $0x10, s14;
	s12 =	sadd.s32 $0x400, s12  }
0x26: {  	s14 =	simm.s32 $0x200  }
.LBB2_10:
0x27: {  	p0 =	sne.s32 s13, $0x3F0  }
.Ltmp4:
0x28: {  	_ = 	snop;
	(pc) =	sbr.rel @p0 .LBB2_10-.Ltmp4, $4  }
0x29: {  	_ = 	snop  }
0x2a: {  	s15 =	sadd.s32 s13, s4;
	s12 =	simm.s32 $0x0  }
0x2b: {  	[tilespmem:s14], [sflag:$0x1] =	stream.linear.gather [hbm4b:s15+s12], $0x80, $0x38;
	[tilespmem:$0x10000] =	vst v63  }
0x2c: {  	s13 =	sadd.s32 $0x10, s13;
	s14 =	sadd.s32 $0x400, s14  }
0x2d: {  	s13 =	simm.s32 $0x280;
	s14 =	simm.s32 $0x0  }
.LBB2_12:
0x2e: {  	p0 =	sne.s32 s14, $0x3F0  }
.Ltmp5:
0x2f: {  	_ = 	snop;
	(pc) =	sbr.rel @p0 .LBB2_12-.Ltmp5, $4  }
0x30: {  	_ = 	snop  }
0x31: {  	s15 =	sadd.s32 s14, s4  }
0x32: {  	[tilespmem:s13], [sflag:$0x1] =	stream.linear.gather [hbm4b:s15+s12], $0x80, $0x38;
	[tilespmem:$0x10000] =	vst v63  }
0x33: {  	s14 =	sadd.s32 $0x10, s14;
	s13 =	sadd.s32 $0x400, s13  }
0x34: {  	s13 =	simm.s32 $0x300  }
.LBB2_14:
0x35: {  	p0 =	sne.s32 s12, $0x3F0  }
.Ltmp6:
0x36: {  	_ = 	snop;
	(pc) =	sbr.rel @p0 .LBB2_14-.Ltmp6, $4  }
0x37: {  	_ = 	snop  }
0x38: {  	s14 =	sadd.s32 s12, s4;
	s15 =	simm.s32 $0x0  }
0x39: {  	[tilespmem:s13], [sflag:$0x1] =	stream.linear.gather [hbm4b:s14+s15], $0x80, $0x38;
	[tilespmem:$0x10000] =	vst v63  }
0x3a: {  	s12 =	sadd.s32 $0x10, s12;
	s13 =	sadd.s32 $0x400, s13  }
0x3b: {  	s12 =	simm.s32 $0x380  }
0x3c: {  	s13 =	simm.s32 $0x10;
	s15 =	sadd.s32 $0x0, s4;
	s14 =	simm.s32 $0x780  }
.LBB2_16:
0x3d: {  	[tilespmem:s12], [sflag:$0x1] =	stream.linear.gather [hbm4b:s15+s2], $0x80, $0x38;
	[tilespmem:$0x10000] =	vst v63  }
0x3e: {  	s15 =	smov.u32 s13;
	s12 =	smov.u32 s14;
	p0 =	sne.s32 s13, $0x3F0  }
.Ltmp7:
0x3f: {  	s13 =	sadd.s32 $0x10, s13;
	(pc) =	sbr.rel @p0 .LBB2_16-.Ltmp7, $2  }
0x40: {  	_ =	sdelay $0x2  }
0x41: {  	s14 =	sadd.s32 $0x400, s14;
	s15 =	sadd.s32 s15, s4  }
0x42: {  	[tilespmem:s12], [sflag:$0x1] =	stream.linear.gather [hbm4b:s15+s2], $0x80, $0x38;
	[tilespmem:$0x10000] =	vst v63  }
0x43: {  	_ =	swait.ge [sflag:s9], $0x2000  }
0x44: {  	[sflag:s9] =	ssyncset.done $0x0  }
0x45: {  	[sflag:s9] =	ssyncadd.s32 $0xFFFFE000  }
0x46: {  	_ =	swait.ge [sflag:s9], $0x2000  }
0x47: {  	[sflag:s9] =	ssyncset.done $0x0  }
0x48: {  	[sflag:s9] =	ssyncadd.s32 $0xFFFFE000  }
0x49: {  	_ =	swait.ge [sflag:s9], $0x2000  }
0x4a: {  	[sflag:s9] =	ssyncset.done $0x0  }
0x4b: {  	[sflag:s9] =	ssyncadd.s32 $0xFFFFE000  }
0x4c: {  	_ =	swait.ge [sflag:s9], $0x2000  }
0x4d: {  	[sflag:s9] =	ssyncset.done $0x0  }
0x4e: {  	[sflag:s9] =	ssyncadd.s32 $0xFFFFE000  }
0x4f: {  	_ =	swait.ge [sflag:s9], $0x2000  }
0x50: {  	[sflag:s9] =	ssyncset.done $0x0  }
0x51: {  	[sflag:s9] =	ssyncadd.s32 $0xFFFFE000  }
0x52: {  	_ =	swait.ge [sflag:s9], $0x2000  }
0x53: {  	[sflag:s9] =	ssyncset.done $0x0  }
0x54: {  	[sflag:s9] =	ssyncadd.s32 $0xFFFFE000  }
0x55: {  	_ =	swait.ge [sflag:s9], $0x2000  }
0x56: {  	[sflag:s9] =	ssyncset.done $0x0  }
0x57: {  	[sflag:s9] =	ssyncadd.s32 $0xFFFFE000  }
0x58: {  	_ =	swait.ge [sflag:s9], $0x2000  }
0x59: {  	[sflag:s9] =	ssyncset.done $0x0  }
0x5a: {  	[sflag:s9] =	ssyncadd.s32 $0xFFFFE000  }
0x5b: {  	[hbm4b:s3+s2] =	stream.linear.scatter [tilespmem:s2], [sflag:$0x2], $0x10000, $0x38;
	[tilespmem:$0x10000] =	vst v63  }
0x5c: {  	_ = 	snop  }
0x5d: {  	[hbm4b:s5+s2] =	stream.linear.scatter [tilespmem:s2], [sflag:$0x2], $0x10000, $0x38;
	[tilespmem:$0x10000] =	vst v63  }
0x5e: {  	_ = 	snop  }
0x5f: {  	[hbm4b:s6+s2] =	stream.linear.scatter [tilespmem:s2], [sflag:$0x2], $0x10000, $0x38;
	[tilespmem:$0x10000] =	vst v63  }
0x60: {  	_ = 	snop  }
0x61: {  	[hbm4b:s7+s2] =	stream.linear.scatter [tilespmem:s2], [sflag:$0x2], $0x10000, $0x38;
	[tilespmem:$0x10000] =	vst v63  }
0x62: {  	_ =	swait.ge [sflag:s10], $0x10000  }
0x63: {  	[sflag:s10] =	ssyncset.done $0x0  }
0x64: {  	[sflag:s10] =	ssyncadd.s32 $0xFFFF0000  }
0x65: {  	_ =	swait.ge [sflag:s10], $0x10000  }
0x66: {  	[sflag:s10] =	ssyncset.done $0x0  }
0x67: {  	s11 =	sadd.s32 $0x1, s11;
	[sflag:s10] =	ssyncadd.s32 $0xFFFF0000  }
0x68: {  	p0 =	sne.s32 s11, s8;
	_ =	swait.ge [sflag:s10], $0x10000  }
.Ltmp8:
0x69: {  	[sflag:s10] =	ssyncset.done $0x0;
	(pc) =	sbr.rel @p0 .LBB2_1-.Ltmp8, $4  }
0x6a: {  	[sflag:s10] =	ssyncadd.s32 $0xFFFF0000  }
0x6b: {  	_ =	swait.ge [sflag:s10], $0x10000  }
0x6c: {  	[sflag:s10] =	ssyncset.done $0x0  }
0x6d: {  	[sflag:s10] =	ssyncadd.s32 $0xFFFF0000  }
0x6e: {  	_ =	sfence.sel $0x180000  }
0x6f: {  	[bflag:$0x0] =	sbarrier.arrive $0xFFFF  }
0x70: {  	p0 =	sne.s32 s1, $0x0;
	_ =	strace $0x90000047  }
0x71: {  	s0 =	sadd.s32 @!p0 $0x100000, s0;
	[bflag:$0x2] =	sbarrier.arrive $0xFFFF  }
0x72: {  	[sflag:s0] =	ssyncadd.tile.s32 @!p0 $0x1;
	_ =	shalt  }
.Lfunc_end2:
_tile_overlayer_lowered:
.L_overlay_start_2:
0x73: {  	(tag) =	ssettag $0x2  }
0x74: {  	s0 =	rddreg [dreg:$0x0];
	s2 =	stileid.u32  }
0x75: {  	s1 =	rddreg [dreg:$0x1];
	p0 =	sne.s32 s2, $0x0  }
0x76: {  	s3 =	rddreg [dreg:$0x2];
	[bflag:$0x3] =	sbarrier.arrive $0xFFFF;
	s2 =	simm.s32 @!p0 $0x1C03  }
0x77: {  	[timem:s3], [sflag:s2] =	dma.local @!p0 [hbm:s0], s1  }
0x78: {  	s0 =	simm.s32 @!p0 $0x3  }
0x79: {  	_ =	swait.ge @!p0 [sflag:s0], s1  }
0x7a: {  	s1 =	ssub.s32 @!p0 $0x0, s1;
	[sflag:s0] =	ssyncset.done @!p0 $0x0  }
0x7b: {  	[sflag:s0] =	ssyncadd.s32 @!p0 s1  }
0x7c: {  	[bflag:$0x3] =	sbarrier.arrive $0xFFFF  }
0x7d: {  	_ =	shalt  }

</sc_bundles>
